<compile_context>
chip_gen: v7x
topology: tpu7x:2x2x1
jax: 0.10.2.dev20260603
libtpu: 0.0.44.dev20260713+nightly
codegen_flags: <defaults>
</compile_context>

<pallas_src>
import functools

import jax
import jax.numpy as jnp
from jax import lax
from jax.experimental import pallas as pl
from jax.experimental.pallas import tpu as pltpu
from jax.experimental.pallas import tpu_sc as plsc

_NW = 8
_BB = 4
_SC_CHUNKS = 2


def _sc_gather(B, D):
    info = plsc.get_sparse_core_info()
    nc = info.num_cores
    bpw = B // _NW
    mesh = plsc.VectorSubcoreMesh(core_axis_name="c", subcore_axis_name="s")

    @functools.partial(
        pl.kernel,
        mesh=mesh,
        out_type=jax.ShapeDtypeStruct((B, D), jnp.float32),
        scratch_types=[
            pltpu.VMEM((bpw,), jnp.int32),
            pltpu.VMEM((bpw, D), jnp.float32),
            pltpu.SemaphoreType.DMA,
        ],
    )
    def gather(w_hbm, idx_hbm, out_hbm, idx_v, rows_v, sem):
        wid = lax.axis_index("s") * nc + lax.axis_index("c")

        @pl.when(wid < _NW)
        def _():
            base = wid * bpw
            pltpu.sync_copy(idx_hbm.at[pl.ds(base, bpw)], idx_v)
            pltpu.async_copy(w_hbm.at[idx_v], rows_v, sem).wait()
            pltpu.sync_copy(rows_v, out_hbm.at[pl.ds(base, bpw)])

    return gather


def _concat_body(emb_ref, feat_ref, out_ref):
    g = pl.program_id(0)
    c = pl.program_id(1)
    chunk = feat_ref.shape[1]

    @pl.when(c == 0)
    def _emb_rows():
        for j in range(_BB):
            out_ref[j, 0, :] = emb_ref[g * _BB + j, :]

    for cc in range(_SC_CHUNKS):

        @pl.when(c == cc)
        def _store_chunk(cc=cc):
            for j in range(_BB):
                out_ref[j, pl.ds(1 + cc * chunk, chunk), :] = feat_ref[j]


def kernel(feature, index_value, embedding_offset, W):
    B, S, D = feature.shape
    if isinstance(embedding_offset, int) and embedding_offset == 0:
        idx = index_value.astype(jnp.int32)
    else:
        idx = (index_value - embedding_offset).astype(jnp.int32)
    emb = _sc_gather(B, D)(W, idx)
    grid_spec = pl.GridSpec(
        grid=(B // _BB, _SC_CHUNKS),
        in_specs=[
            pl.BlockSpec((B, D), lambda g, c: (0, 0)),
            pl.BlockSpec((_BB, S // _SC_CHUNKS, D), lambda g, c: (g, c, 0)),
        ],
        out_specs=pl.BlockSpec((_BB, S + 1, D), lambda g, c: (g, 0, 0)),
    )
    return pl.pallas_call(
        _concat_body,
        grid_spec=grid_spec,
        out_shape=jax.ShapeDtypeStruct((B, S + 1, D), feature.dtype),
        compiler_params=pltpu.CompilerParams(vmem_limit_bytes=100 * 1024 * 1024),
    )(emb, feature)

# --- scband reference (transcript-rebuilt; emitter-appended) ---
"""Pipeline reference for scband-pop2-piano-concat-embedding-to-mel-55336358642505 (READ-ONLY COPY).

The authoritative reference and input builder live on the scoring server;
editing this copy changes nothing except your own understanding.
"""

import jax, jax.numpy as jnp
import numpy as np

B, S, D = 64, 2048, 512
VOCAB = 21

def setup_inputs(seed: int = 0) -> dict:
    key = jax.random.key(seed)
    k1, k2, k3 = jax.random.split(key, 3)
    feature = jax.random.normal(k1, (B, S, D), dtype=jnp.float32)
    index_value = jax.random.randint(k2, (B,), 0, VOCAB, dtype=jnp.int32)
    embedding_offset = 0
    # learned embedding table (nn.Embedding default init ~ N(0,1))
    W = jax.random.normal(k3, (VOCAB, D), dtype=jnp.float32)
    return {"feature": feature, "index_value": index_value, "embedding_offset": embedding_offset, "W": W}

def reference(feature, index_value, embedding_offset, W):
    # index_shifted = index_value - embedding_offset
    index_shifted = index_value - embedding_offset
    # composer_embedding = self.embedding(index_shifted).unsqueeze(1)
    composer_embedding = jnp.take(W, index_shifted, axis=0)[:, None, :]
    # inputs_embeds = torch.cat([composer_embedding, feature], dim=1)
    inputs_embeds = jnp.concatenate([composer_embedding, feature], axis=1)
    return inputs_embeds

if __name__ == "__main__":
    import jax
    _d = setup_inputs()
    print(jax.jit(kernel)(*tuple(_d.values())))

</pallas_src>

<mosaic_0001>
#map = affine_map<(d0, d1) -> (0, 0)>
#map1 = affine_map<(d0, d1) -> (0)>
module attributes {stable_mosaic.version = 14 : i64} {
  func.func @gather(%arg0: i32, %arg1: i32, %arg2: memref<21x512xf32, #tpu.memory_space<hbm>>, %arg3: memref<64xi32, #tpu.memory_space<hbm>>, %arg4: memref<64x512xf32, #tpu.memory_space<hbm>>, %arg5: memref<8xi32, #tpu.memory_space<vmem>>, %arg6: memref<8x512xf32, #tpu.memory_space<vmem>>, %arg7: memref<!tpu.dma_semaphore, #tpu.memory_space<semaphore_mem>>) attributes {dimension_semantics = [#tpu.dimension_semantics<core_parallel>, #tpu.dimension_semantics<subcore_parallel>], iteration_bounds = array<i64: 2, 16>, scalar_prefetch = 0 : i64, scratch_operands = 3 : i64, tpu.core_type = #tpu.core_type<sc_vector_subcore>, window_params = [{transform_indices = #map}, {transform_indices = #map1}, {transform_indices = #map}]} {
    %mul3A = arith.constant 2 : i32
    %mul3A_0 = arith.muli %arg1, %mul3A : i32
    %add3A = arith.addi %mul3A_0, %arg0 : i32
    %lt3A = arith.constant 8 : i32
    %lt3A_1 = arith.cmpi slt, %add3A, %lt3A : i32
    %convert_element_type3A = arith.extui %lt3A_1 : i1 to i32
    %cond3A = arith.constant 0 : i32
    %cond3A_2 = arith.cmpi ne, %convert_element_type3A, %cond3A : i32
    scf.if %cond3A_2 {
      %mul3A_3 = arith.constant 8 : i32
      %mul3A_4 = arith.muli %add3A, %mul3A_3 : i32
      "tpu.region"() ({
        %run_scoped3A = tpu.sem_alloc : memref<!tpu.dma_semaphore, #tpu.memory_space<semaphore_mem>>
        %dma_start3A_9 = tpu.memref_slice %arg3[%mul3A_4] : memref<64xi32, #tpu.memory_space<hbm>> -> memref<8xi32, #tpu.memory_space<hbm>>
        %dma_start3A_10 = tpu.memref_slice %arg3[%mul3A_4] : memref<64xi32, #tpu.memory_space<hbm>> -> memref<8xi32, #tpu.memory_space<hbm>>
        tpu.enqueue_dma source(%dma_start3A_10 : memref<8xi32, #tpu.memory_space<hbm>>) target(%arg5 : memref<8xi32, #tpu.memory_space<vmem>>) target_semaphore(%run_scoped3A : memref<!tpu.dma_semaphore, #tpu.memory_space<semaphore_mem>>)
        %dma_wait3A_11 = tpu.memref_slice %arg3[%mul3A_4] : memref<64xi32, #tpu.memory_space<hbm>> -> memref<8xi32, #tpu.memory_space<hbm>>
        %dma_wait3A_12 = tpu.memref_slice %arg3[%mul3A_4] : memref<64xi32, #tpu.memory_space<hbm>> -> memref<8xi32, #tpu.memory_space<hbm>>
        tpu.wait_dma2 semaphore(%run_scoped3A : memref<!tpu.dma_semaphore, #tpu.memory_space<semaphore_mem>>) src(%dma_wait3A_12 : memref<8xi32, #tpu.memory_space<hbm>>) dst(%arg5 : memref<8xi32, #tpu.memory_space<vmem>>)
        tpu.yield
      }) : () -> ()
      %dma_start3A = arith.constant 0 : i32
      %dma_start3A_5 = arith.constant 0 : i32
      %dma_start3A_6 = tpu.memref_slice %arg2[%dma_start3A, %dma_start3A_5] : memref<21x512xf32, #tpu.memory_space<hbm>> -> memref<21x512xf32, #tpu.memory_space<hbm>>
      tpu.enqueue_indirect_dma source(%dma_start3A_6 : memref<21x512xf32, #tpu.memory_space<hbm>>) target(%arg6 : memref<8x512xf32, #tpu.memory_space<vmem>>) offsets(%arg5 : memref<8xi32, #tpu.memory_space<vmem>>) semaphore(%arg7 : memref<!tpu.dma_semaphore, #tpu.memory_space<semaphore_mem>>)
      %dma_wait3A = arith.constant 0 : i32
      %dma_wait3A_7 = arith.constant 0 : i32
      %dma_wait3A_8 = tpu.memref_slice %arg2[%dma_wait3A, %dma_wait3A_7] : memref<21x512xf32, #tpu.memory_space<hbm>> -> memref<21x512xf32, #tpu.memory_space<hbm>>
      tpu.wait_indirect_dma semaphore(%arg7 : memref<!tpu.dma_semaphore, #tpu.memory_space<semaphore_mem>>) src(%dma_wait3A_8 : memref<21x512xf32, #tpu.memory_space<hbm>>) dst(%arg6 : memref<8x512xf32, #tpu.memory_space<vmem>>)
      "tpu.region"() ({
        %run_scoped3A = tpu.sem_alloc : memref<!tpu.dma_semaphore, #tpu.memory_space<semaphore_mem>>
        %dma_start3A_9 = arith.constant 0 : i32
        %dma_start3A_10 = tpu.memref_slice %arg4[%mul3A_4, %dma_start3A_9] : memref<64x512xf32, #tpu.memory_space<hbm>> -> memref<8x512xf32, #tpu.memory_space<hbm>>
        %dma_start3A_11 = arith.constant 0 : i32
        %dma_start3A_12 = tpu.memref_slice %arg4[%mul3A_4, %dma_start3A_11] : memref<64x512xf32, #tpu.memory_space<hbm>> -> memref<8x512xf32, #tpu.memory_space<hbm>>
        tpu.enqueue_dma source(%arg6 : memref<8x512xf32, #tpu.memory_space<vmem>>) target(%dma_start3A_12 : memref<8x512xf32, #tpu.memory_space<hbm>>) target_semaphore(%run_scoped3A : memref<!tpu.dma_semaphore, #tpu.memory_space<semaphore_mem>>)
        %dma_wait3A_13 = arith.constant 0 : i32
        %dma_wait3A_14 = tpu.memref_slice %arg4[%mul3A_4, %dma_wait3A_13] : memref<64x512xf32, #tpu.memory_space<hbm>> -> memref<8x512xf32, #tpu.memory_space<hbm>>
        %dma_wait3A_15 = arith.constant 0 : i32
        %dma_wait3A_16 = tpu.memref_slice %arg4[%mul3A_4, %dma_wait3A_15] : memref<64x512xf32, #tpu.memory_space<hbm>> -> memref<8x512xf32, #tpu.memory_space<hbm>>
        tpu.wait_dma2 semaphore(%run_scoped3A : memref<!tpu.dma_semaphore, #tpu.memory_space<semaphore_mem>>) src(%arg6 : memref<8x512xf32, #tpu.memory_space<vmem>>) dst(%dma_wait3A_16 : memref<8x512xf32, #tpu.memory_space<hbm>>)
        tpu.yield
      }) : () -> ()
    } else {
    }
    return
  }
}

module attributes {stable_mosaic.version = 14 : i64} {
  func.func @_concat_body(%arg0: i32, %arg1: i32, %arg2: memref<64x512xf32, #tpu.memory_space<vmem>>, %arg3: memref<4x1024x512xf32, #tpu.memory_space<vmem>>, %arg4: memref<4x2049x512xf32, #tpu.memory_space<vmem>>) attributes {dimension_semantics = [#tpu.dimension_semantics<arbitrary>, #tpu.dimension_semantics<arbitrary>], iteration_bounds = array<i64: 16, 2>, scalar_prefetch = 0 : i64, scratch_operands = 0 : i64, tpu.core_type = #tpu.core_type<tc>, window_params = [{pipeline_mode = #tpu.pipeline_mode<synchronous>, transform_indices = @transform_0, window_bounds = array<i64: 64, 512>}, {transform_indices = @transform_1, window_bounds = array<i64: 4, 1024, 512>}, {transform_indices = @transform_2, window_bounds = array<i64: 4, 2049, 512>}]} {
    %eq3A = arith.constant 0 : i32
    %eq3A_0 = arith.cmpi eq, %arg1, %eq3A : i32
    %convert_element_type3A = arith.extui %eq3A_0 : i1 to i32
    %cond3A = arith.constant 0 : i32
    %cond3A_1 = arith.cmpi ne, %convert_element_type3A, %cond3A : i32
    scf.if %cond3A_1 {
      %mul3A = arith.constant 4 : i32
      %mul3A_12 = arith.muli %arg0, %mul3A : i32
      %add3A = arith.constant 0 : i32
      %add3A_13 = arith.addi %mul3A_12, %add3A : i32
      %get3A = arith.index_cast %add3A_13 : i32 to index
      %get3A_14 = arith.constant 0 : index
      %get3A_15 = vector.load %arg2[%get3A, %get3A_14] : memref<64x512xf32, #tpu.memory_space<vmem>>, vector<1x512xf32>
      %get3A_16 = vector.shape_cast %get3A_15 : vector<1x512xf32> to vector<512xf32>
      %swap3A = arith.constant 0 : index
      %swap3A_17 = arith.constant 0 : index
      %swap3A_18 = arith.constant 0 : index
      %swap3A_19 = vector.load %arg4[%swap3A, %swap3A_17, %swap3A_18] : memref<4x2049x512xf32, #tpu.memory_space<vmem>>, vector<1x1x512xf32>
      %swap3A_20 = vector.shape_cast %swap3A_19 : vector<1x1x512xf32> to vector<512xf32>
      %swap3A_21 = vector.shape_cast %get3A_16 : vector<512xf32> to vector<1x1x512xf32>
      tpu.vector_store %arg4[%swap3A, %swap3A_17, %swap3A_18], %swap3A_21 {strides = array<i32>} : memref<4x2049x512xf32, #tpu.memory_space<vmem>>, vector<1x1x512xf32>,
      %mul3A_22 = arith.constant 4 : i32
      %mul3A_23 = arith.muli %arg0, %mul3A_22 : i32
      %add3A_24 = arith.constant 1 : i32
      %add3A_25 = arith.addi %mul3A_23, %add3A_24 : i32
      %get3A_26 = arith.index_cast %add3A_25 : i32 to index
      %get3A_27 = arith.constant 0 : index
      %get3A_28 = vector.load %arg2[%get3A_26, %get3A_27] : memref<64x512xf32, #tpu.memory_space<vmem>>, vector<1x512xf32>
      %get3A_29 = vector.shape_cast %get3A_28 : vector<1x512xf32> to vector<512xf32>
      %swap3A_30 = arith.constant 1 : index
      %swap3A_31 = arith.constant 0 : index
      %swap3A_32 = arith.constant 0 : index
      %swap3A_33 = vector.load %arg4[%swap3A_30, %swap3A_31, %swap3A_32] : memref<4x2049x512xf32, #tpu.memory_space<vmem>>, vector<1x1x512xf32>
      %swap3A_34 = vector.shape_cast %swap3A_33 : vector<1x1x512xf32> to vector<512xf32>
      %swap3A_35 = vector.shape_cast %get3A_29 : vector<512xf32> to vector<1x1x512xf32>
      tpu.vector_store %arg4[%swap3A_30, %swap3A_31, %swap3A_32], %swap3A_35 {strides = array<i32>} : memref<4x2049x512xf32, #tpu.memory_space<vmem>>, vector<1x1x512xf32>,
      %mul3A_36 = arith.constant 4 : i32
      %mul3A_37 = arith.muli %arg0, %mul3A_36 : i32
      %add3A_38 = arith.constant 2 : i32
      %add3A_39 = arith.addi %mul3A_37, %add3A_38 : i32
      %get3A_40 = arith.index_cast %add3A_39 : i32 to index
      %get3A_41 = arith.constant 0 : index
      %get3A_42 = vector.load %arg2[%get3A_40, %get3A_41] : memref<64x512xf32, #tpu.memory_space<vmem>>, vector<1x512xf32>
      %get3A_43 = vector.shape_cast %get3A_42 : vector<1x512xf32> to vector<512xf32>
      %swap3A_44 = arith.constant 2 : index
      %swap3A_45 = arith.constant 0 : index
      %swap3A_46 = arith.constant 0 : index
      %swap3A_47 = vector.load %arg4[%swap3A_44, %swap3A_45, %swap3A_46] : memref<4x2049x512xf32, #tpu.memory_space<vmem>>, vector<1x1x512xf32>
      %swap3A_48 = vector.shape_cast %swap3A_47 : vector<1x1x512xf32> to vector<512xf32>
      %swap3A_49 = vector.shape_cast %get3A_43 : vector<512xf32> to vector<1x1x512xf32>
      tpu.vector_store %arg4[%swap3A_44, %swap3A_45, %swap3A_46], %swap3A_49 {strides = array<i32>} : memref<4x2049x512xf32, #tpu.memory_space<vmem>>, vector<1x1x512xf32>,
      %mul3A_50 = arith.constant 4 : i32
      %mul3A_51 = arith.muli %arg0, %mul3A_50 : i32
      %add3A_52 = arith.constant 3 : i32
      %add3A_53 = arith.addi %mul3A_51, %add3A_52 : i32
      %get3A_54 = arith.index_cast %add3A_53 : i32 to index
      %get3A_55 = arith.constant 0 : index
      %get3A_56 = vector.load %arg2[%get3A_54, %get3A_55] : memref<64x512xf32, #tpu.memory_space<vmem>>, vector<1x512xf32>
      %get3A_57 = vector.shape_cast %get3A_56 : vector<1x512xf32> to vector<512xf32>
      %swap3A_58 = arith.constant 3 : index
      %swap3A_59 = arith.constant 0 : index
      %swap3A_60 = arith.constant 0 : index
      %swap3A_61 = vector.load %arg4[%swap3A_58, %swap3A_59, %swap3A_60] : memref<4x2049x512xf32, #tpu.memory_space<vmem>>, vector<1x1x512xf32>
      %swap3A_62 = vector.shape_cast %swap3A_61 : vector<1x1x512xf32> to vector<512xf32>
      %swap3A_63 = vector.shape_cast %get3A_57 : vector<512xf32> to vector<1x1x512xf32>
      tpu.vector_store %arg4[%swap3A_58, %swap3A_59, %swap3A_60], %swap3A_63 {strides = array<i32>} : memref<4x2049x512xf32, #tpu.memory_space<vmem>>, vector<1x1x512xf32>,
    } else {
    }
    %eq3A_2 = arith.constant 0 : i32
    %eq3A_3 = arith.cmpi eq, %arg1, %eq3A_2 : i32
    %convert_element_type3A_4 = arith.extui %eq3A_3 : i1 to i32
    %cond3A_5 = arith.constant 0 : i32
    %cond3A_6 = arith.cmpi ne, %convert_element_type3A_4, %cond3A_5 : i32
    scf.if %cond3A_6 {
      %get3A = arith.constant 0 : index
      %get3A_12 = arith.constant 0 : index
      %get3A_13 = arith.constant 0 : index
      %get3A_14 = vector.load %arg3[%get3A, %get3A_12, %get3A_13] : memref<4x1024x512xf32, #tpu.memory_space<vmem>>, vector<1x1024x512xf32>
      %get3A_15 = vector.shape_cast %get3A_14 : vector<1x1024x512xf32> to vector<1024x512xf32>
      %swap3A = arith.constant 0 : index
      %swap3A_16 = arith.constant 1 : index
      %swap3A_17 = arith.constant 0 : index
      %swap3A_18 = vector.load %arg4[%swap3A, %swap3A_16, %swap3A_17] : memref<4x2049x512xf32, #tpu.memory_space<vmem>>, vector<1x1024x512xf32>
      %swap3A_19 = vector.shape_cast %swap3A_18 : vector<1x1024x512xf32> to vector<1024x512xf32>
      %swap3A_20 = vector.shape_cast %get3A_15 : vector<1024x512xf32> to vector<1x1024x512xf32>
      tpu.vector_store %arg4[%swap3A, %swap3A_16, %swap3A_17], %swap3A_20 {strides = array<i32>} : memref<4x2049x512xf32, #tpu.memory_space<vmem>>, vector<1x1024x512xf32>,
      %get3A_21 = arith.constant 1 : index
      %get3A_22 = arith.constant 0 : index
      %get3A_23 = arith.constant 0 : index
      %get3A_24 = vector.load %arg3[%get3A_21, %get3A_22, %get3A_23] : memref<4x1024x512xf32, #tpu.memory_space<vmem>>, vector<1x1024x512xf32>
      %get3A_25 = vector.shape_cast %get3A_24 : vector<1x1024x512xf32> to vector<1024x512xf32>
      %swap3A_26 = arith.constant 1 : index
      %swap3A_27 = arith.constant 1 : index
      %swap3A_28 = arith.constant 0 : index
      %swap3A_29 = vector.load %arg4[%swap3A_26, %swap3A_27, %swap3A_28] : memref<4x2049x512xf32, #tpu.memory_space<vmem>>, vector<1x1024x512xf32>
      %swap3A_30 = vector.shape_cast %swap3A_29 : vector<1x1024x512xf32> to vector<1024x512xf32>
      %swap3A_31 = vector.shape_cast %get3A_25 : vector<1024x512xf32> to vector<1x1024x512xf32>
      tpu.vector_store %arg4[%swap3A_26, %swap3A_27, %swap3A_28], %swap3A_31 {strides = array<i32>} : memref<4x2049x512xf32, #tpu.memory_space<vmem>>, vector<1x1024x512xf32>,
      %get3A_32 = arith.constant 2 : index
      %get3A_33 = arith.constant 0 : index
      %get3A_34 = arith.constant 0 : index
      %get3A_35 = vector.load %arg3[%get3A_32, %get3A_33, %get3A_34] : memref<4x1024x512xf32, #tpu.memory_space<vmem>>, vector<1x1024x512xf32>
      %get3A_36 = vector.shape_cast %get3A_35 : vector<1x1024x512xf32> to vector<1024x512xf32>
      %swap3A_37 = arith.constant 2 : index
      %swap3A_38 = arith.constant 1 : index
      %swap3A_39 = arith.constant 0 : index
      %swap3A_40 = vector.load %arg4[%swap3A_37, %swap3A_38, %swap3A_39] : memref<4x2049x512xf32, #tpu.memory_space<vmem>>, vector<1x1024x512xf32>
      %swap3A_41 = vector.shape_cast %swap3A_40 : vector<1x1024x512xf32> to vector<1024x512xf32>
      %swap3A_42 = vector.shape_cast %get3A_36 : vector<1024x512xf32> to vector<1x1024x512xf32>
      tpu.vector_store %arg4[%swap3A_37, %swap3A_38, %swap3A_39], %swap3A_42 {strides = array<i32>} : memref<4x2049x512xf32, #tpu.memory_space<vmem>>, vector<1x1024x512xf32>,
      %get3A_43 = arith.constant 3 : index
      %get3A_44 = arith.constant 0 : index
      %get3A_45 = arith.constant 0 : index
      %get3A_46 = vector.load %arg3[%get3A_43, %get3A_44, %get3A_45] : memref<4x1024x512xf32, #tpu.memory_space<vmem>>, vector<1x1024x512xf32>
      %get3A_47 = vector.shape_cast %get3A_46 : vector<1x1024x512xf32> to vector<1024x512xf32>
      %swap3A_48 = arith.constant 3 : index
      %swap3A_49 = arith.constant 1 : index
      %swap3A_50 = arith.constant 0 : index
      %swap3A_51 = vector.load %arg4[%swap3A_48, %swap3A_49, %swap3A_50] : memref<4x2049x512xf32, #tpu.memory_space<vmem>>, vector<1x1024x512xf32>
      %swap3A_52 = vector.shape_cast %swap3A_51 : vector<1x1024x512xf32> to vector<1024x512xf32>
      %swap3A_53 = vector.shape_cast %get3A_47 : vector<1024x512xf32> to vector<1x1024x512xf32>
      tpu.vector_store %arg4[%swap3A_48, %swap3A_49, %swap3A_50], %swap3A_53 {strides = array<i32>} : memref<4x2049x512xf32, #tpu.memory_space<vmem>>, vector<1x1024x512xf32>,
    } else {
    }
    %eq3A_7 = arith.constant 1 : i32
    %eq3A_8 = arith.cmpi eq, %arg1, %eq3A_7 : i32
    %convert_element_type3A_9 = arith.extui %eq3A_8 : i1 to i32
    %cond3A_10 = arith.constant 0 : i32
    %cond3A_11 = arith.cmpi ne, %convert_element_type3A_9, %cond3A_10 : i32
    scf.if %cond3A_11 {
      %get3A = arith.constant 0 : index
      %get3A_12 = arith.constant 0 : index
      %get3A_13 = arith.constant 0 : index
      %get3A_14 = vector.load %arg3[%get3A, %get3A_12, %get3A_13] : memref<4x1024x512xf32, #tpu.memory_space<vmem>>, vector<1x1024x512xf32>
      %get3A_15 = vector.shape_cast %get3A_14 : vector<1x1024x512xf32> to vector<1024x512xf32>
      %swap3A = arith.constant 0 : index
      %swap3A_16 = arith.constant 1025 : index
      %swap3A_17 = arith.constant 0 : index
      %swap3A_18 = vector.load %arg4[%swap3A, %swap3A_16, %swap3A_17] : memref<4x2049x512xf32, #tpu.memory_space<vmem>>, vector<1x1024x512xf32>
      %swap3A_19 = vector.shape_cast %swap3A_18 : vector<1x1024x512xf32> to vector<1024x512xf32>
      %swap3A_20 = vector.shape_cast %get3A_15 : vector<1024x512xf32> to vector<1x1024x512xf32>
      tpu.vector_store %arg4[%swap3A, %swap3A_16, %swap3A_17], %swap3A_20 {strides = array<i32>} : memref<4x2049x512xf32, #tpu.memory_space<vmem>>, vector<1x1024x512xf32>,
      %get3A_21 = arith.constant 1 : index
      %get3A_22 = arith.constant 0 : index
      %get3A_23 = arith.constant 0 : index
      %get3A_24 = vector.load %arg3[%get3A_21, %get3A_22, %get3A_23] : memref<4x1024x512xf32, #tpu.memory_space<vmem>>, vector<1x1024x512xf32>
      %get3A_25 = vector.shape_cast %get3A_24 : vector<1x1024x512xf32> to vector<1024x512xf32>
      %swap3A_26 = arith.constant 1 : index
      %swap3A_27 = arith.constant 1025 : index
      %swap3A_28 = arith.constant 0 : index
      %swap3A_29 = vector.load %arg4[%swap3A_26, %swap3A_27, %swap3A_28] : memref<4x2049x512xf32, #tpu.memory_space<vmem>>, vector<1x1024x512xf32>
      %swap3A_30 = vector.shape_cast %swap3A_29 : vector<1x1024x512xf32> to vector<1024x512xf32>
      %swap3A_31 = vector.shape_cast %get3A_25 : vector<1024x512xf32> to vector<1x1024x512xf32>
      tpu.vector_store %arg4[%swap3A_26, %swap3A_27, %swap3A_28], %swap3A_31 {strides = array<i32>} : memref<4x2049x512xf32, #tpu.memory_space<vmem>>, vector<1x1024x512xf32>,
      %get3A_32 = arith.constant 2 : index
      %get3A_33 = arith.constant 0 : index
      %get3A_34 = arith.constant 0 : index
      %get3A_35 = vector.load %arg3[%get3A_32, %get3A_33, %get3A_34] : memref<4x1024x512xf32, #tpu.memory_space<vmem>>, vector<1x1024x512xf32>
      %get3A_36 = vector.shape_cast %get3A_35 : vector<1x1024x512xf32> to vector<1024x512xf32>
      %swap3A_37 = arith.constant 2 : index
      %swap3A_38 = arith.constant 1025 : index
      %swap3A_39 = arith.constant 0 : index
      %swap3A_40 = vector.load %arg4[%swap3A_37, %swap3A_38, %swap3A_39] : memref<4x2049x512xf32, #tpu.memory_space<vmem>>, vector<1x1024x512xf32>
      %swap3A_41 = vector.shape_cast %swap3A_40 : vector<1x1024x512xf32> to vector<1024x512xf32>
      %swap3A_42 = vector.shape_cast %get3A_36 : vector<1024x512xf32> to vector<1x1024x512xf32>
      tpu.vector_store %arg4[%swap3A_37, %swap3A_38, %swap3A_39], %swap3A_42 {strides = array<i32>} : memref<4x2049x512xf32, #tpu.memory_space<vmem>>, vector<1x1024x512xf32>,
      %get3A_43 = arith.constant 3 : index
      %get3A_44 = arith.constant 0 : index
      %get3A_45 = arith.constant 0 : index
      %get3A_46 = vector.load %arg3[%get3A_43, %get3A_44, %get3A_45] : memref<4x1024x512xf32, #tpu.memory_space<vmem>>, vector<1x1024x512xf32>
      %get3A_47 = vector.shape_cast %get3A_46 : vector<1x1024x512xf32> to vector<1024x512xf32>
      %swap3A_48 = arith.constant 3 : index
      %swap3A_49 = arith.constant 1025 : index
      %swap3A_50 = arith.constant 0 : index
      %swap3A_51 = vector.load %arg4[%swap3A_48, %swap3A_49, %swap3A_50] : memref<4x2049x512xf32, #tpu.memory_space<vmem>>, vector<1x1024x512xf32>
      %swap3A_52 = vector.shape_cast %swap3A_51 : vector<1x1024x512xf32> to vector<1024x512xf32>
      %swap3A_53 = vector.shape_cast %get3A_47 : vector<1024x512xf32> to vector<1x1024x512xf32>
      tpu.vector_store %arg4[%swap3A_48, %swap3A_49, %swap3A_50], %swap3A_53 {strides = array<i32>} : memref<4x2049x512xf32, #tpu.memory_space<vmem>>, vector<1x1024x512xf32>,
    } else {
    }
    return
  }
  func.func @transform_0(%arg0: i32, %arg1: i32) -> (i32, i32) {
    %c0_i32 = arith.constant 0 : i32
    %c0_i32_0 = arith.constant 0 : i32
    %c0_i32_1 = arith.constant 0 : i32
    return %c0_i32, %c0_i32_0 : i32, i32
  }
  func.func @transform_1(%arg0: i32, %arg1: i32) -> (i32, i32, i32) {
    %c0_i32 = arith.constant 0 : i32
    %c0_i32_0 = arith.constant 0 : i32
    return %arg0, %arg1, %c0_i32 : i32, i32, i32
  }
  func.func @transform_2(%arg0: i32, %arg1: i32) -> (i32, i32, i32) {
    %c0_i32 = arith.constant 0 : i32
    %c0_i32_0 = arith.constant 0 : i32
    %c0_i32_1 = arith.constant 0 : i32
    return %arg0, %c0_i32, %c0_i32_0 : i32, i32, i32
  }
}

</mosaic_0001>

<sc_bundles>
// kernel: kernel.4.cloned.1.call-start
scs
__scs_entry_jumppad:
0x0: {  	(pc) =	sbr.rel $0x88, $3  }
0x1: {  	(tag) =	ssettag $0x0;
	lr =	simm.s32 $0x1  }
0x2: {  	[smem:$0x3F9D] =	sst lr;
	_ =	strace $0xD0000000  }
0x3: {  	_ = 	snop  }
0x4: {  	_ = 	snop  }
0x5: {  	_ = 	snop  }
0x6: {  	_ = 	snop  }
0x7: {  	_ = 	snop  }
__scs_overlays_trampoline_lowered:
0x8: {  	[smem:$0x3FAC] =	sst s0  }
0x9: {  	[smem:$0x3FAD] =	sst s1  }
0xa: {  	[smem:$0x3FAE] =	sst s2  }
0xb: {  	[smem:$0x3FAF] =	sst s3  }
0xc: {  	[smem:$0x3FB0] =	sst s4  }
0xd: {  	[smem:$0x3FB1] =	sst s5  }
0xe: {  	[smem:$0x3FB2] =	sst s6  }
0xf: {  	[smem:$0x3FB3] =	sst s7  }
0x10: {  	[smem:$0x3FB4] =	sst s8  }
0x11: {  	[smem:$0x3FB5] =	sst s9;
	s0 =	simm.s32 @!p0 $0x0  }
0x12: {  	s1 =	sld [smem:$0x3F9B];
	s0 =	simm.s32 @p0 $0x1  }
0x13: {  	[smem:$0x3FB6] =	sst s0;
	s0 =	simm.s32 @!p1 $0x0  }
0x14: {  	s2 =	sld [smem:$0x3F9A];
	s0 =	simm.s32 @p1 $0x1  }
0x15: {  	[smem:$0x3FB7] =	sst s0;
	s0 =	simm.s32 @!p2 $0x0  }
0x16: {  	s3 =	sld [smem:$0x3FDB];
	s0 =	simm.s32 @p2 $0x1  }
0x17: {  	s4 =	simm.s32 $0x1BF5;
	[smem:$0x3FB9] =	sst s0  }
0x18: {  	s0 =	sld [smem:$0x3F9C];
	_ =	swait.ge [sflag:s4], $0x0  }
0x19: {  	s7 =	sld [smem:$0x3F9D]  }
0x1a: {  	s8 =	sadd.s32 $0xFFFFE003, lr  }
0x1b: {  	s9 =	sadd.s32 $0xFFFFFEF7, lr;
	s5 =	simm.s32 $0xFFFFFFFF;
	p2 =	slt.u32 s8, $0xFFFFF086  }
0x1c: {  	p1 =	slt.u32 s9, $0xF7A;
	s5 =	simm.s32 @!p2 $0x0  }
0x1d: {  	s5 =	simm.s32 @p1 $0x1;
	p0 =	seq.s32 s7, s2  }
0x1e: {  	s7 =	smul.u32 @!p0 $0xF7A, s2;
	p2 =	seq.s32 @!p0 s5, $0x0  }
0x1f: {  	s9 =	smul.u32 $0xF7A, s1;
	s8 =	simm.s32 @!p0 $0x1BF5;
	p2 =	por !p2, p0  }
0x20: {  	[sflag:s8] =	ssyncset.s32 @!p0 $0xFFFFF086;
	s6 =	sadd.s32 @!p0 s3, s7;
	s7 =	simm.s32 @!p0 $0x108  }
0x21: {  	s3 =	sadd.s32 s3, s9;
	s6 =	sadd.s32 @!p0 $0x88, s6;
	s7 =	simm.s32 @p2 $0x1082  }
0x22: {  	[simem:s7], [sflag:s8] =	dma.local @!p0 [hbm:s6], $0xF7A  }
0x23: {  	s9 =	sor.u32 $0xD0000000, s2;
	s6 =	simm.s32 $0x108;
	_ =	swait.ge @!p0 [sflag:s8], $0x0  }
0x24: {  	s3 =	sadd.s32 $0x88, s3;
	s6 =	simm.s32 @!p1 $0x1082;
	[sflag:s4] =	ssyncset.s32 $0xFFFFF086  }
0x25: {  	[simem:s6], [sflag:s4] =	dma.local [hbm:s3], $0xF7A  }
0x26: {  	[smem:$0x3F9D] =	sst s1;
	(tag) =	ssettag s2;
	_ =	strace s9  }
0x27: {  	s1 =	sld [smem:$0x3FAD]  }
0x28: {  	s2 =	sld [smem:$0x3FAE]  }
0x29: {  	s4 =	sld [smem:$0x3FB0]  }
0x2a: {  	p0 =	seq.s32 s5, $0x0;
	s5 =	sld [smem:$0x3FB1]  }
0x2b: {  	s6 =	sld [smem:$0x3FB2]  }
0x2c: {  	s7 =	sld [smem:$0x3FB3]  }
0x2d: {  	s3 =	simm.s32 $0x108;
	s8 =	sld [smem:$0x3FB4]  }
0x2e: {  	s3 =	simm.s32 @!p0 $0x1082;
	s9 =	sld [smem:$0x3FB5]  }
0x2f: {  	lr =	sadd.s32 s0, s3;
	s0 =	sld [smem:$0x3FAC]  }
0x30: {  	s3 =	sld [smem:$0x3FAF]  }
0x31: {  	[smem:$0x3FB8] =	sst s10  }
0x32: {  	s10 =	sld [smem:$0x3FB6];
	_ =	sdelay $0x3  }
0x33: {  	p0 =	seq.s32 s10, $0x1;
	s10 =	sld [smem:$0x3FB8];
	_ =	sdelay $0x3  }
0x34: {  	[smem:$0x3FB8] =	sst s10  }
0x35: {  	s10 =	sld [smem:$0x3FB7];
	_ =	sdelay $0x3  }
0x36: {  	p1 =	seq.s32 s10, $0x1;
	s10 =	sld [smem:$0x3FB8];
	_ =	sdelay $0x3  }
0x37: {  	[smem:$0x3FB8] =	sst s10  }
0x38: {  	s10 =	sld [smem:$0x3FB9]  }
0x39: {  	_ = 	snop;
	(pc) =	sbr.ind lr, $3  }
0x3a: {  	_ = 	snop  }
0x3b: {  	_ = 	snop  }
0x3c: {  	p2 =	seq.s32 s10, $0x1;
	s10 =	sld [smem:$0x3FB8]  }
0x3d: {  	_ =	shalt  }
0x3e: {  	_ =	shalt  }
0x3f: {  	_ =	shalt  }
0x40: {  	_ =	shalt  }
0x41: {  	_ =	shalt  }
0x42: {  	_ =	shalt  }
0x43: {  	_ =	shalt  }
0x44: {  	_ =	shalt  }
0x45: {  	_ =	shalt  }
0x46: {  	_ =	shalt  }
0x47: {  	_ =	shalt  }
0x48: {  	_ =	shalt  }
0x49: {  	_ =	shalt  }
0x4a: {  	_ =	shalt  }
0x4b: {  	_ =	shalt  }
0x4c: {  	_ =	shalt  }
0x4d: {  	_ =	shalt  }
0x4e: {  	_ =	shalt  }
0x4f: {  	_ =	shalt  }
0x50: {  	_ =	shalt  }
0x51: {  	_ =	shalt  }
0x52: {  	_ =	shalt  }
0x53: {  	_ =	shalt  }
0x54: {  	_ =	shalt  }
0x55: {  	_ =	shalt  }
0x56: {  	_ =	shalt  }
0x57: {  	_ =	shalt  }
0x58: {  	_ =	shalt  }
0x59: {  	_ =	shalt  }
0x5a: {  	_ =	shalt  }
0x5b: {  	_ =	shalt  }
0x5c: {  	_ =	shalt  }
0x5d: {  	_ =	shalt  }
0x5e: {  	_ =	shalt  }
0x5f: {  	_ =	shalt  }
0x60: {  	_ =	shalt  }
0x61: {  	_ =	shalt  }
0x62: {  	_ =	shalt  }
0x63: {  	_ =	shalt  }
0x64: {  	_ =	shalt  }
0x65: {  	_ =	shalt  }
0x66: {  	_ =	shalt  }
0x67: {  	_ =	shalt  }
0x68: {  	_ =	shalt  }
0x69: {  	_ =	shalt  }
0x6a: {  	_ =	shalt  }
0x6b: {  	_ =	shalt  }
0x6c: {  	_ =	shalt  }
0x6d: {  	_ =	shalt  }
0x6e: {  	_ =	shalt  }
0x6f: {  	_ =	shalt  }
0x70: {  	_ =	shalt  }
0x71: {  	_ =	shalt  }
0x72: {  	_ =	shalt  }
0x73: {  	_ =	shalt  }
0x74: {  	_ =	shalt  }
0x75: {  	_ =	shalt  }
0x76: {  	_ =	shalt  }
0x77: {  	_ =	shalt  }
0x78: {  	_ =	shalt  }
0x79: {  	_ =	shalt  }
0x7a: {  	_ =	shalt  }
0x7b: {  	_ =	shalt  }
0x7c: {  	_ =	shalt  }
0x7d: {  	_ =	shalt  }
0x7e: {  	_ =	shalt  }
0x7f: {  	_ =	shalt  }
0x80: {  	_ =	shalt  }
0x81: {  	_ =	shalt  }
0x82: {  	_ =	shalt  }
0x83: {  	_ =	shalt  }
0x84: {  	_ =	shalt  }
0x85: {  	_ =	shalt  }
0x86: {  	_ =	shalt  }
0x87: {  	_ =	shalt  }
.Lfunc_end0:
.L_simem_size_0:
called_computation_lowered:
.L_overlay_start_0:
0x88: {  	s2 =	sld [smem:$0x3FD9]  }
0x89: {  	s3 =	sld [smem:$0x3FFE];
	_ =	sdelay $0x1  }
0x8a: {  	s1 =	srdreg.scid  }
0x8b: {  	s0 =	sand.u32 $0x1, s1  }
0x8c: {  	s17 =	sshll.u32 s0, $0xA;
	s2 =	sadd.s32 s3, s2  }
0x8d: {  	s2 =	sadd.s32 s2, s17  }
0x8e: {  	[smem:$0x3FC4] =	sst s2  }
0x8f: {  	_ = 	snop  }
0x90: {  	s2 =	sld [smem:$0x3FC6]  }
0x91: {  	s18 =	sld [smem:$0x3FD0];
	(tm) =	ssettm $0x1  }
0x92: {  	s4 =	sld [smem:$0x3FFB];
	_ =	sdelay $0x3  }
0x93: {  	_ =	strace s4  }
0x94: {  	s4 =	sld [smem:$0x3FFC];
	_ =	sdelay $0x3  }
0x95: {  	_ =	strace s4  }
0x96: {  	s4 =	sld [smem:$0x3FFD];
	_ =	sdelay $0x3  }
0x97: {  	_ =	strace s4  }
0x98: {  	_ =	strace $0x8FFFFFFF  }
0x99: {  	s19 =	sld [smem:$0x3FDB];
	_ =	sdelay $0x1  }
0x9a: {  	s5 =	simm.s32 $_scs_section_size  }
0x9b: {  	s6 =	simm.s32 $_size__tile_overlayer_lowered;
	s7 =	simm.s32 $_tile_overlayer_lowered  }
0x9c: {  	s22 =	simm.s32 $0x1BFF;
	s21 =	sshll.u32 s7, $0x1;
	s4 =	sadd.s32 s5, s19  }
0x9d: {  	s8 =	simm.s32 $0x0;
	s20 =	sshll.u32 s6, $0x1;
	s6 =	sadd.s32 s21, s4  }
0x9e: {  	[timem:s8], [sflag:s22] =	dma.local [hbm:s6], s20  }
0x9f: {  	_ =	swait.ge [sflag:s22], s20  }
0xa0: {  	s5 =	ssub.s32 $0x0, s20;
	[sflag:s22] =	ssyncset.done $0x0  }
0xa1: {  	[sflag:s22] =	ssyncadd.s32 s5;
	_ =	sdelay $0x1  }
0xa2: {  	s23 =	simm.s32 $0x1B8B  }
0xa3: {  	_ =	swait.ge [sflag:s23], $0x1  }
0xa4: {  	[sflag:s23] =	ssyncset.done $0x0  }
0xa5: {  	s25 =	simm.s32 $0x1B8E;
	s24 =	sld [smem:$0x3FFE];
	[sflag:s23] =	ssyncadd.s32 $0xFFFFFFFF  }
0xa6: {  	s26 =	simm.s32 $execute0_lowered;
	[smem:$0x3FD2] =	sst s25  }
0xa7: {  	s6 =	sshll.u32 s26, $0x1;
	_ =	strace $0x80000046;
	[dreg:$0x1] =	wrdreg $0xFFFFFFFF  }
0xa8: {  	s28 =	simm.s32 $_size_execute0_lowered;
	s4 =	sadd.s32 s4, s6;
	[dreg:$0x0] =	wrdreg $0x0  }
0xa9: {  	s6 =	sshll.u32 s28, $0x1;
	[dreg:$0x2] =	wrdreg s4  }
0xaa: {  	[dreg:$0x3] =	wrdreg s6  }
0xab: {  	[dreg:$0x4] =	wrdreg $0xC0  }
0xac: {  	_ =	task [dreg:s8], $0x5FFFF  }
0xad: {  	[dreg:$0x1] =	wrdreg $0xFFFFFFFF  }
0xae: {  	[dreg:$0x0] =	wrdreg $0x60  }
0xaf: {  	[dreg:$0x2] =	wrdreg s2  }
0xb0: {  	[dreg:$0x3] =	wrdreg s24  }
0xb1: {  	[dreg:$0x4] =	wrdreg s18  }
0xb2: {  	[dreg:$0x5] =	wrdreg $0x9  }
0xb3: {  	_ =	task.clear_ibuf [dreg:s8], $0x6FFFF;
	_ =	strace $0x90000046  }
0xb4: {  	s29 =	simm.s32 $0x9;
	_ =	strace $0x80000048  }
0xb5: {  	_ =	swait.ge [sflag:s29], $0x1  }
0xb6: {  	[sflag:s29] =	ssyncadd.s32 $0xFFFFFFFF  }
0xb7: {  	_ =	strace $0x90000048  }
0xb8: {  	_ =	sfence  }
0xb9: {  	s30 =	sld [smem:$0x0];
	_ =	sdelay $0x2  }
0xba: {  	s31 =	sshll.u32 s1, $0xD;
	s1 =	sshrl.u32 s1, $0x2  }
0xbb: {  	s3 =	sand.u32 $0x4000, s31;
	s1 =	sadd.s32 s1, s30  }
0xbc: {  	s0 =	sor.u32 s3, s0;
	s1 =	sshll.u32 s1, $0x11  }
0xbd: {  	s0 =	sor.u32 s1, s0  }
0xbe: {  	s0 =	sadd.s32 $0x8F2B, s0  }
0xbf: {  	[sflag:s0] =	ssyncadd.remote.s32 $0x1  }
0xc0: {  	_ =	sfence.sel $0xFFFF  }
0xc1: {  	[dreg:$0x0] =	wrdreg $0xFFFFFFFF;
	(pc) =	sbr.abs _section_cstart, $3  }
0xc2: {  	[dreg:$0x1] =	wrdreg $0xFFFFFFFF  }
0xc3: {  	_ =	task.clear_ibuf [dreg:s8], $0x2FFFF;
	_ =	strace $0x9FFFFFFF  }
0xc4: {  	(tm) =	ssettm $0x7FFFFFFF  }
0xc5: {  	_ =	shalt  }
tec
execute0_lowered:
.L_overlay_start_1:
0x0: {  	(tag) =	ssettag $0x1  }
0x1: {  	s1 =	stileid.u32  }
0x2: {  	p0 =	sgt.u32 s1, $0x3  }
.Ltmp0:
0x3: {  	s2 =	rddreg [dreg:$0x0];
	(pc) =	sbr.rel @p0 .LBB2_4-.Ltmp0, $4  }
0x4: {  	s4 =	rddreg [dreg:$0x1]  }
0x5: {  	s10 =	rddreg [dreg:$0x2];
	s3 =	simm.s32 $0x0  }
0x6: {  	[smem:$0x7FF] =	sst s3  }
0x7: {  	s0 =	rddreg [dreg:$0x3];
	_ =	strace $0x80000047  }
0x8: {  	s5 =	srdreg.scid  }
0x9: {  	s30 =	sshll.u32 s1, $0x1;
	s8 =	sand.u32 $0x1, s5  }
0xa: {  	s4 =	sadd.s32 $0x400, s4;
	s11 =	sor.u32 s8, s30  }
0xb: {  	s5 =	sadd.s32 s4, s11;
	s4 =	simm.s32 $0x2  }
0xc: {  	[tilespmem:s3], [sflag:$0x2] =	stream.linear.gather [hbm4b:s5+s3], $0x8, $0x38;
	[tilespmem:$0x1080] =	vst v63  }
0xd: {  	_ =	swait.ge [sflag:s4], $0x8  }
0xe: {  	[sflag:s4] =	ssyncset.done $0x0  }
0xf: {  	[sflag:s4] =	ssyncadd.s32 $0xFFFFFFF8  }
0x10: {  	v0 =	vld.msk [tilespmem:$0x0], $0xff;
	_ =	sdelay $0x4  }
0x11: {  	v1 =	vshll.u32 v0, $0x2  }
0x12: {  	v2 =	vlaneseq.u32;
	v3 =	vand.u32 $0x7, v0;
	v1 =	vand.u32 $0xFFFFFFE0, v1  }
0x13: {  	v0 =	vand.u32 $0x7, v2;
	v2 =	vshrl.u32 v2, $0x3;
	v3 =	vor.u32 v3, v1  }
0x14: {  	v1 =	vmul.u32 $0x8, v2;
	v2 =	vperm.xlane v3, v0;
	_ =	sdelay $0x1  }
0x15: {  	v2 =	vadd.s32 v1, v2;
	_ =	sdelay $0x1  }
0x16: {  	s12 =	ssub.s32 $0x2, s8  }
0x17: {  	s13 =	sshrl.u32 s12, $0x1  }
0x18: {  	s6 =	sadd.s32 $0x100, s2;
	vm0 =	vmmov $0xffff;
	s7 =	simm.s32 $0x80;
	s12 =	ssub.s32 s12, s13  }
0x19: {  	[tilespmem:s7], [sflag:$0x1] =	stream.indirect_vreg.gather [hbm4b:s2+s3], $0x80, v2, vm0, $0xb8;
	[tilespmem:$0x1080] =	vst v63  }
0x1a: {  	s9 =	simm.s32 $0x1;
	s8 =	simm.s32 $0x880;
	s31 =	smax.u32 s12, $0x1  }
0x1b: {  	[tilespmem:s8], [sflag:$0x1] =	stream.indirect_vreg.gather [hbm4b:s6+s3], $0x80, v2, vm0, $0xb8;
	[tilespmem:$0x1080] =	vst v63  }
0x1c: {  	p0 =	sne.s32 s31, $0x1;
	_ =	swait.ge [sflag:s9], $0x1000  }
.Ltmp1:
0x1d: {  	s11 =	sshll.u32 s11, $0x9;
	[sflag:s9] =	ssyncset.done $0x0;
	(pc) =	sbr.rel @!p0 .LBB2_3-.Ltmp1, $4  }
0x1e: {  	s10 =	sadd.s32 s10, s11;
	[sflag:s9] =	ssyncadd.s32 $0xFFFFF000  }
0x1f: {  	[hbm4b:s10+s3] =	stream.linear.scatter [tilespmem:s7], [sflag:$0x2], $0x1000, $0x38;
	[tilespmem:$0x1080] =	vst v63  }
0x20: {  	_ =	swait.ge [sflag:s4], $0x1000  }
0x21: {  	s11 =	sadd.s32 $0xFFFFFFFF, s31;
	[sflag:s4] =	ssyncset.done $0x0  }
.LBB2_2:
0x22: {  	p0 =	sne.s32 s11, $0x1;
	s11 =	sadd.s32 $0xFFFFFFFF, s11;
	[sflag:s4] =	ssyncadd.s32 $0xFFFFF000  }
0x23: {  	[tilespmem:s3], [sflag:$0x2] =	stream.linear.gather [hbm4b:s5+s3], $0x8, $0x38;
	[tilespmem:$0x1080] =	vst v63  }
0x24: {  	_ =	swait.ge [sflag:s4], $0x8  }
0x25: {  	[sflag:s4] =	ssyncset.done $0x0  }
0x26: {  	[sflag:s4] =	ssyncadd.s32 $0xFFFFFFF8  }
0x27: {  	v2 =	vld.msk [tilespmem:$0x0], $0xff;
	_ =	sdelay $0x4  }
0x28: {  	v3 =	vshll.u32 v2, $0x2  }
0x29: {  	v2 =	vand.u32 $0x7, v2;
	v3 =	vand.u32 $0xFFFFFFE0, v3  }
0x2a: {  	v2 =	vor.u32 v2, v3  }
0x2b: {  	v2 =	vperm.xlane v2, v0;
	_ =	sdelay $0x1  }
0x2c: {  	v2 =	vadd.s32 v1, v2;
	_ =	sdelay $0x4  }
0x2d: {  	[tilespmem:s7], [sflag:$0x1] =	stream.indirect_vreg.gather [hbm4b:s2+s3], $0x80, v2, vm0, $0xb8;
	[tilespmem:$0x1080] =	vst v63  }
0x2e: {  	_ = 	snop  }
0x2f: {  	[tilespmem:s8], [sflag:$0x1] =	stream.indirect_vreg.gather [hbm4b:s6+s3], $0x80, v2, vm0, $0xb8;
	[tilespmem:$0x1080] =	vst v63  }
0x30: {  	_ =	swait.ge [sflag:s9], $0x1000  }
.Ltmp2:
0x31: {  	[sflag:s9] =	ssyncset.done $0x0;
	(pc) =	sbr.rel @p0 .LBB2_2-.Ltmp2, $4  }
0x32: {  	[sflag:s9] =	ssyncadd.s32 $0xFFFFF000  }
0x33: {  	[hbm4b:s10+s3] =	stream.linear.scatter [tilespmem:s7], [sflag:$0x2], $0x1000, $0x38;
	[tilespmem:$0x1080] =	vst v63  }
0x34: {  	_ =	swait.ge [sflag:s4], $0x1000  }
0x35: {  	[sflag:s4] =	ssyncset.done $0x0  }
.LBB2_3:
0x36: {  	[sflag:s4] =	ssyncadd.s32 $0xFFFFF000  }
.LBB2_4:
0x37: {  	_ =	sfence.sel $0x180000  }
0x38: {  	[bflag:$0x0] =	sbarrier.arrive $0xFFFF  }
0x39: {  	p0 =	sne.s32 s1, $0x0;
	_ =	strace $0x90000047  }
0x3a: {  	s0 =	sadd.s32 @!p0 $0x100000, s0;
	[bflag:$0x2] =	sbarrier.arrive $0xFFFF  }
0x3b: {  	[sflag:s0] =	ssyncadd.tile.s32 @!p0 $0x1;
	_ =	shalt  }
.Lfunc_end2:
_tile_overlayer_lowered:
.L_overlay_start_2:
0x3c: {  	(tag) =	ssettag $0x2  }
0x3d: {  	s0 =	rddreg [dreg:$0x0];
	s2 =	stileid.u32  }
0x3e: {  	s1 =	rddreg [dreg:$0x1];
	p0 =	sne.s32 s2, $0x0  }
0x3f: {  	s3 =	rddreg [dreg:$0x2];
	[bflag:$0x3] =	sbarrier.arrive $0xFFFF;
	s2 =	simm.s32 @!p0 $0x1C02  }
0x40: {  	[timem:s3], [sflag:s2] =	dma.local @!p0 [hbm:s0], s1  }
0x41: {  	s0 =	simm.s32 @!p0 $0x2  }
0x42: {  	_ =	swait.ge @!p0 [sflag:s0], s1  }
0x43: {  	s1 =	ssub.s32 @!p0 $0x0, s1;
	[sflag:s0] =	ssyncset.done @!p0 $0x0  }
0x44: {  	[sflag:s0] =	ssyncadd.s32 @!p0 s1  }
0x45: {  	[bflag:$0x3] =	sbarrier.arrive $0xFFFF  }
0x46: {  	_ =	shalt  }

</sc_bundles>
